<compile_context>
chip_gen: v7x
topology: tpu7x:2x2x1
jax: 0.10.2.dev20260603
libtpu: 0.0.44.dev20260713+nightly
codegen_flags: <defaults>
</compile_context>

<pallas_src>
import functools

import jax
import jax.numpy as jnp
from jax import lax
from jax.experimental import pallas as pl
from jax.experimental.pallas import tpu as pltpu
from jax.experimental.pallas import tpu_sc as plsc

_VOCAB = 1000000
_EMBED = 64
_LPAD = 16
_PACK = 8
_ROW_BLK = 1000


def _transform_body(t_ref, w_ref, b_ref, o_ref):
    x = jnp.tanh(t_ref[...])
    o_ref[...] = (
        jnp.dot(x, w_ref[...], preferred_element_type=jnp.float32) + b_ref[...]
    )


def _transform_table(tbl8, w8, b8):
    rows = tbl8.shape[0]
    k = tbl8.shape[1]
    n = w8.shape[1]
    return pl.pallas_call(
        _transform_body,
        grid=(rows // _ROW_BLK,),
        in_specs=[
            pl.BlockSpec((_ROW_BLK, k), lambda i: (i, 0)),
            pl.BlockSpec((k, n), lambda i: (0, 0)),
            pl.BlockSpec((1, n), lambda i: (0, 0)),
        ],
        out_specs=pl.BlockSpec((_ROW_BLK, n), lambda i: (i, 0)),
        out_shape=jax.ShapeDtypeStruct((rows, n), jnp.float32),
    )(tbl8, w8, b8)


_CHUNK = 128
_NBUF = 4


def _sc_gather(table, idx):
    info = plsc.get_sparse_core_info()
    nc, ns = info.num_cores, info.num_subcores
    nw = nc * ns
    b_total = idx.shape[0]
    b_per_w = b_total // nw
    n_steps = b_per_w // _CHUNK
    n_groups = n_steps // _NBUF
    idx3 = idx.reshape(nw, n_steps, _CHUNK)
    mesh = plsc.VectorSubcoreMesh(core_axis_name="c", subcore_axis_name="s")

    @functools.partial(
        pl.kernel,
        mesh=mesh,
        out_type=jax.ShapeDtypeStruct((b_total, _LPAD), jnp.float32),
        scratch_types=[
            pltpu.VMEM((n_steps, _CHUNK), jnp.int32),
            pltpu.VMEM((_NBUF, _CHUNK, _LPAD), jnp.float32),
            pltpu.SemaphoreType.DMA,
        ],
        compiler_params=pltpu.CompilerParams(use_tc_tiling_on_sc=False),
    )
    def gather_kernel(t_hbm, idx_hbm, out_hbm, idx_v, rows_v, sem):
        wid = lax.axis_index("s") * nc + lax.axis_index("c")
        base = wid * b_per_w
        pltpu.sync_copy(idx_hbm.at[wid], idx_v)

        def group(g, carry):
            copies = []
            for u in range(_NBUF):
                j = g * _NBUF + u
                copies.append(
                    pltpu.async_copy(t_hbm.at[idx_v.at[j]], rows_v.at[u], sem)
                )
            for u in range(_NBUF):
                copies[u].wait()
            for u in range(_NBUF):
                j = g * _NBUF + u
                pltpu.sync_copy(
                    rows_v.at[u], out_hbm.at[pl.ds(base + j * _CHUNK, _CHUNK)]
                )
            return carry

        lax.fori_loop(0, n_groups, group, 0)

    return gather_kernel(table, idx3)


def kernel(input, emb_table, W, b):
    batch, hist = input.shape
    labels = W.shape[1]
    wp = jnp.zeros((_EMBED, _LPAD), jnp.float32).at[:, :labels].set(W)
    bp = jnp.zeros((_LPAD,), jnp.float32).at[:labels].set(b)
    eye = jnp.eye(_PACK, dtype=jnp.float32)
    w8 = jnp.einsum("pq,kn->pkqn", eye, wp).reshape(_PACK * _EMBED, _PACK * _LPAD)
    b8 = jnp.tile(bp, _PACK)[None, :]
    tbl8 = emb_table.reshape(_VOCAB // _PACK, _PACK * _EMBED)

    label_table = _transform_table(tbl8, w8, b8).reshape(_VOCAB, _LPAD)

    idx = input.reshape(-1).astype(jnp.int32)
    gathered = _sc_gather(label_table, idx)
    return gathered[:, :labels].reshape(batch, hist, labels)

# --- scband reference (transcript-rebuilt; emitter-appended) ---
"""Pipeline reference for scband-pooling-11940009083285 (READ-ONLY COPY).

The authoritative reference and input builder live on the scoring server;
editing this copy changes nothing except your own understanding.
"""

import jax, jax.numpy as jnp
import numpy as np

VOCAB = 1000000
EMBED = 64
LABEL = 10
BATCH = 4096
HIST = 200

def setup_inputs(seed: int = 0) -> dict:
    key = jax.random.key(seed)
    k1, k2, k3 = jax.random.split(key, 3)
    inp = jax.random.randint(k1, (BATCH, HIST), 0, VOCAB, dtype=jnp.int64 if jax.config.jax_enable_x64 else jnp.int32)
    emb_table = jax.random.normal(k2, (VOCAB, EMBED), dtype=jnp.float32) * 0.02
    W = jax.random.normal(k3, (EMBED, LABEL), dtype=jnp.float32) * 0.02
    b = jnp.zeros((LABEL,), dtype=jnp.float32)
    return {"input": inp, "emb_table": emb_table, "W": W, "b": b}

def reference(input, emb_table, W, b):
    # nn.Embedding lookup
    out = jnp.take(emb_table, input, axis=0)  # [B, L, EMBED]
    # embed_dropout: identity in eval mode
    out = jnp.tanh(out)
    # self.dropout (undefined in torch source; identity in eval semantics)
    out = out @ W + b  # linear: [B, L, LABEL]
    return out

if __name__ == "__main__":
    import jax
    _d = setup_inputs()
    print(jax.jit(kernel)(*tuple(_d.values())))

</pallas_src>

<mosaic_0001>
#map = affine_map<(d0, d1) -> (0, 0)>
#map1 = affine_map<(d0, d1) -> (0, 0, 0)>
module attributes {stable_mosaic.version = 14 : i64} {
  func.func @gather_kernel(%arg0: i32, %arg1: i32, %arg2: memref<1000000x16xf32, #tpu.memory_space<hbm>>, %arg3: memref<32x200x128xi32, #tpu.memory_space<hbm>>, %arg4: memref<819200x16xf32, #tpu.memory_space<hbm>>, %arg5: memref<200x128xi32, #tpu.memory_space<vmem>>, %arg6: memref<4x128x16xf32, #tpu.memory_space<vmem>>, %arg7: memref<!tpu.dma_semaphore, #tpu.memory_space<semaphore_mem>>) attributes {dimension_semantics = [#tpu.dimension_semantics<core_parallel>, #tpu.dimension_semantics<subcore_parallel>], iteration_bounds = array<i64: 2, 16>, scalar_prefetch = 0 : i64, scratch_operands = 3 : i64, tpu.core_type = #tpu.core_type<sc_vector_subcore>, window_params = [{transform_indices = #map}, {transform_indices = #map1}, {transform_indices = #map}]} {
    %mul3A = arith.constant 2 : i32
    %mul3A_0 = arith.muli %arg1, %mul3A : i32
    %add3A = arith.addi %mul3A_0, %arg0 : i32
    %mul3A_1 = arith.constant 25600 : i32
    %mul3A_2 = arith.muli %add3A, %mul3A_1 : i32
    "tpu.region"() ({
      %run_scoped3A = tpu.sem_alloc : memref<!tpu.dma_semaphore, #tpu.memory_space<semaphore_mem>>
      %dma_start3A = arith.constant 0 : i32
      %dma_start3A_8 = arith.constant 0 : i32
      %dma_start3A_9 = tpu.memref_slice %arg3[%add3A, %dma_start3A, %dma_start3A_8] : memref<32x200x128xi32, #tpu.memory_space<hbm>> -> memref<1x200x128xi32, #tpu.memory_space<hbm>>
      %dma_start3A_10 = tpu.memref_squeeze %dma_start3A_9 : memref<1x200x128xi32, #tpu.memory_space<hbm>> -> memref<200x128xi32, #tpu.memory_space<hbm>>
      %dma_start3A_11 = arith.constant 0 : i32
      %dma_start3A_12 = arith.constant 0 : i32
      %dma_start3A_13 = tpu.memref_slice %arg3[%add3A, %dma_start3A_11, %dma_start3A_12] : memref<32x200x128xi32, #tpu.memory_space<hbm>> -> memref<1x200x128xi32, #tpu.memory_space<hbm>>
      %dma_start3A_14 = tpu.memref_squeeze %dma_start3A_13 : memref<1x200x128xi32, #tpu.memory_space<hbm>> -> memref<200x128xi32, #tpu.memory_space<hbm>>
      tpu.enqueue_dma source(%dma_start3A_14 : memref<200x128xi32, #tpu.memory_space<hbm>>) target(%arg5 : memref<200x128xi32, #tpu.memory_space<vmem>>) target_semaphore(%run_scoped3A : memref<!tpu.dma_semaphore, #tpu.memory_space<semaphore_mem>>)
      %dma_wait3A = arith.constant 0 : i32
      %dma_wait3A_15 = arith.constant 0 : i32
      %dma_wait3A_16 = tpu.memref_slice %arg3[%add3A, %dma_wait3A, %dma_wait3A_15] : memref<32x200x128xi32, #tpu.memory_space<hbm>> -> memref<1x200x128xi32, #tpu.memory_space<hbm>>
      %dma_wait3A_17 = tpu.memref_squeeze %dma_wait3A_16 : memref<1x200x128xi32, #tpu.memory_space<hbm>> -> memref<200x128xi32, #tpu.memory_space<hbm>>
      %dma_wait3A_18 = arith.constant 0 : i32
      %dma_wait3A_19 = arith.constant 0 : i32
      %dma_wait3A_20 = tpu.memref_slice %arg3[%add3A, %dma_wait3A_18, %dma_wait3A_19] : memref<32x200x128xi32, #tpu.memory_space<hbm>> -> memref<1x200x128xi32, #tpu.memory_space<hbm>>
      %dma_wait3A_21 = tpu.memref_squeeze %dma_wait3A_20 : memref<1x200x128xi32, #tpu.memory_space<hbm>> -> memref<200x128xi32, #tpu.memory_space<hbm>>
      tpu.wait_dma2 semaphore(%run_scoped3A : memref<!tpu.dma_semaphore, #tpu.memory_space<semaphore_mem>>) src(%dma_wait3A_21 : memref<200x128xi32, #tpu.memory_space<hbm>>) dst(%arg5 : memref<200x128xi32, #tpu.memory_space<vmem>>)
      tpu.yield
    }) : () -> ()
    %scan3A = arith.constant 0 : i32
    %scan3A_3 = arith.constant 0 : i32
    %scan3A_4 = arith.constant 50 : i32
    %scan3A_5 = arith.addi %scan3A_3, %scan3A_4 : i32
    %scan3A_6 = arith.constant 1 : i32
    scf.for %scan3A_8 = %scan3A_3 to %scan3A_5 step %scan3A_6  : i32 {
      %mul3A_9 = arith.constant 4 : i32
      %mul3A_10 = arith.muli %scan3A_8, %mul3A_9 : i32
      %add3A_11 = arith.constant 0 : i32
      %add3A_12 = arith.addi %mul3A_10, %add3A_11 : i32
      %dma_start3A = arith.constant 0 : i32
      %dma_start3A_13 = arith.constant 0 : i32
      %dma_start3A_14 = arith.constant 0 : i32
      %dma_start3A_15 = tpu.memref_slice %arg6[%dma_start3A, %dma_start3A_13, %dma_start3A_14] : memref<4x128x16xf32, #tpu.memory_space<vmem>> -> memref<1x128x16xf32, #tpu.memory_space<vmem>>
      %dma_start3A_16 = tpu.memref_squeeze %dma_start3A_15 : memref<1x128x16xf32, #tpu.memory_space<vmem>> -> memref<128x16xf32, #tpu.memory_space<vmem>>
      %dma_start3A_17 = arith.constant 0 : i32
      %dma_start3A_18 = tpu.memref_slice %arg5[%add3A_12, %dma_start3A_17] : memref<200x128xi32, #tpu.memory_space<vmem>> -> memref<1x128xi32, #tpu.memory_space<vmem>>
      %dma_start3A_19 = tpu.memref_squeeze %dma_start3A_18 : memref<1x128xi32, #tpu.memory_space<vmem>> -> memref<128xi32, #tpu.memory_space<vmem>>
      %dma_start3A_20 = arith.constant 0 : i32
      %dma_start3A_21 = arith.constant 0 : i32
      %dma_start3A_22 = tpu.memref_slice %arg2[%dma_start3A_20, %dma_start3A_21] : memref<1000000x16xf32, #tpu.memory_space<hbm>> -> memref<1000000x16xf32, #tpu.memory_space<hbm>>
      tpu.enqueue_indirect_dma source(%dma_start3A_22 : memref<1000000x16xf32, #tpu.memory_space<hbm>>) target(%dma_start3A_16 : memref<128x16xf32, #tpu.memory_space<vmem>>) offsets(%dma_start3A_19 : memref<128xi32, #tpu.memory_space<vmem>>) semaphore(%arg7 : memref<!tpu.dma_semaphore, #tpu.memory_space<semaphore_mem>>)
      %mul3A_23 = arith.constant 4 : i32
      %mul3A_24 = arith.muli %scan3A_8, %mul3A_23 : i32
      %add3A_25 = arith.constant 1 : i32
      %add3A_26 = arith.addi %mul3A_24, %add3A_25 : i32
      %dma_start3A_27 = arith.constant 1 : i32
      %dma_start3A_28 = arith.constant 0 : i32
      %dma_start3A_29 = arith.constant 0 : i32
      %dma_start3A_30 = tpu.memref_slice %arg6[%dma_start3A_27, %dma_start3A_28, %dma_start3A_29] : memref<4x128x16xf32, #tpu.memory_space<vmem>> -> memref<1x128x16xf32, #tpu.memory_space<vmem>>
      %dma_start3A_31 = tpu.memref_squeeze %dma_start3A_30 : memref<1x128x16xf32, #tpu.memory_space<vmem>> -> memref<128x16xf32, #tpu.memory_space<vmem>>
      %dma_start3A_32 = arith.constant 0 : i32
      %dma_start3A_33 = tpu.memref_slice %arg5[%add3A_26, %dma_start3A_32] : memref<200x128xi32, #tpu.memory_space<vmem>> -> memref<1x128xi32, #tpu.memory_space<vmem>>
      %dma_start3A_34 = tpu.memref_squeeze %dma_start3A_33 : memref<1x128xi32, #tpu.memory_space<vmem>> -> memref<128xi32, #tpu.memory_space<vmem>>
      %dma_start3A_35 = arith.constant 0 : i32
      %dma_start3A_36 = arith.constant 0 : i32
      %dma_start3A_37 = tpu.memref_slice %arg2[%dma_start3A_35, %dma_start3A_36] : memref<1000000x16xf32, #tpu.memory_space<hbm>> -> memref<1000000x16xf32, #tpu.memory_space<hbm>>
      tpu.enqueue_indirect_dma source(%dma_start3A_37 : memref<1000000x16xf32, #tpu.memory_space<hbm>>) target(%dma_start3A_31 : memref<128x16xf32, #tpu.memory_space<vmem>>) offsets(%dma_start3A_34 : memref<128xi32, #tpu.memory_space<vmem>>) semaphore(%arg7 : memref<!tpu.dma_semaphore, #tpu.memory_space<semaphore_mem>>)
      %mul3A_38 = arith.constant 4 : i32
      %mul3A_39 = arith.muli %scan3A_8, %mul3A_38 : i32
      %add3A_40 = arith.constant 2 : i32
      %add3A_41 = arith.addi %mul3A_39, %add3A_40 : i32
      %dma_start3A_42 = arith.constant 2 : i32
      %dma_start3A_43 = arith.constant 0 : i32
      %dma_start3A_44 = arith.constant 0 : i32
      %dma_start3A_45 = tpu.memref_slice %arg6[%dma_start3A_42, %dma_start3A_43, %dma_start3A_44] : memref<4x128x16xf32, #tpu.memory_space<vmem>> -> memref<1x128x16xf32, #tpu.memory_space<vmem>>
      %dma_start3A_46 = tpu.memref_squeeze %dma_start3A_45 : memref<1x128x16xf32, #tpu.memory_space<vmem>> -> memref<128x16xf32, #tpu.memory_space<vmem>>
      %dma_start3A_47 = arith.constant 0 : i32
      %dma_start3A_48 = tpu.memref_slice %arg5[%add3A_41, %dma_start3A_47] : memref<200x128xi32, #tpu.memory_space<vmem>> -> memref<1x128xi32, #tpu.memory_space<vmem>>
      %dma_start3A_49 = tpu.memref_squeeze %dma_start3A_48 : memref<1x128xi32, #tpu.memory_space<vmem>> -> memref<128xi32, #tpu.memory_space<vmem>>
      %dma_start3A_50 = arith.constant 0 : i32
      %dma_start3A_51 = arith.constant 0 : i32
      %dma_start3A_52 = tpu.memref_slice %arg2[%dma_start3A_50, %dma_start3A_51] : memref<1000000x16xf32, #tpu.memory_space<hbm>> -> memref<1000000x16xf32, #tpu.memory_space<hbm>>
      tpu.enqueue_indirect_dma source(%dma_start3A_52 : memref<1000000x16xf32, #tpu.memory_space<hbm>>) target(%dma_start3A_46 : memref<128x16xf32, #tpu.memory_space<vmem>>) offsets(%dma_start3A_49 : memref<128xi32, #tpu.memory_space<vmem>>) semaphore(%arg7 : memref<!tpu.dma_semaphore, #tpu.memory_space<semaphore_mem>>)
      %mul3A_53 = arith.constant 4 : i32
      %mul3A_54 = arith.muli %scan3A_8, %mul3A_53 : i32
      %add3A_55 = arith.constant 3 : i32
      %add3A_56 = arith.addi %mul3A_54, %add3A_55 : i32
      %dma_start3A_57 = arith.constant 3 : i32
      %dma_start3A_58 = arith.constant 0 : i32
      %dma_start3A_59 = arith.constant 0 : i32
      %dma_start3A_60 = tpu.memref_slice %arg6[%dma_start3A_57, %dma_start3A_58, %dma_start3A_59] : memref<4x128x16xf32, #tpu.memory_space<vmem>> -> memref<1x128x16xf32, #tpu.memory_space<vmem>>
      %dma_start3A_61 = tpu.memref_squeeze %dma_start3A_60 : memref<1x128x16xf32, #tpu.memory_space<vmem>> -> memref<128x16xf32, #tpu.memory_space<vmem>>
      %dma_start3A_62 = arith.constant 0 : i32
      %dma_start3A_63 = tpu.memref_slice %arg5[%add3A_56, %dma_start3A_62] : memref<200x128xi32, #tpu.memory_space<vmem>> -> memref<1x128xi32, #tpu.memory_space<vmem>>
      %dma_start3A_64 = tpu.memref_squeeze %dma_start3A_63 : memref<1x128xi32, #tpu.memory_space<vmem>> -> memref<128xi32, #tpu.memory_space<vmem>>
      %dma_start3A_65 = arith.constant 0 : i32
      %dma_start3A_66 = arith.constant 0 : i32
      %dma_start3A_67 = tpu.memref_slice %arg2[%dma_start3A_65, %dma_start3A_66] : memref<1000000x16xf32, #tpu.memory_space<hbm>> -> memref<1000000x16xf32, #tpu.memory_space<hbm>>
      tpu.enqueue_indirect_dma source(%dma_start3A_67 : memref<1000000x16xf32, #tpu.memory_space<hbm>>) target(%dma_start3A_61 : memref<128x16xf32, #tpu.memory_space<vmem>>) offsets(%dma_start3A_64 : memref<128xi32, #tpu.memory_space<vmem>>) semaphore(%arg7 : memref<!tpu.dma_semaphore, #tpu.memory_space<semaphore_mem>>)
      %dma_wait3A = arith.constant 0 : i32
      %dma_wait3A_68 = arith.constant 0 : i32
      %dma_wait3A_69 = arith.constant 0 : i32
      %dma_wait3A_70 = tpu.memref_slice %arg6[%dma_wait3A, %dma_wait3A_68, %dma_wait3A_69] : memref<4x128x16xf32, #tpu.memory_space<vmem>> -> memref<1x128x16xf32, #tpu.memory_space<vmem>>
      %dma_wait3A_71 = tpu.memref_squeeze %dma_wait3A_70 : memref<1x128x16xf32, #tpu.memory_space<vmem>> -> memref<128x16xf32, #tpu.memory_space<vmem>>
      %dma_wait3A_72 = arith.constant 0 : i32
      %dma_wait3A_73 = tpu.memref_slice %arg5[%add3A_12, %dma_wait3A_72] : memref<200x128xi32, #tpu.memory_space<vmem>> -> memref<1x128xi32, #tpu.memory_space<vmem>>
      %dma_wait3A_74 = tpu.memref_squeeze %dma_wait3A_73 : memref<1x128xi32, #tpu.memory_space<vmem>> -> memref<128xi32, #tpu.memory_space<vmem>>
      %dma_wait3A_75 = arith.constant 0 : i32
      %dma_wait3A_76 = arith.constant 0 : i32
      %dma_wait3A_77 = tpu.memref_slice %arg2[%dma_wait3A_75, %dma_wait3A_76] : memref<1000000x16xf32, #tpu.memory_space<hbm>> -> memref<1000000x16xf32, #tpu.memory_space<hbm>>
      tpu.wait_indirect_dma semaphore(%arg7 : memref<!tpu.dma_semaphore, #tpu.memory_space<semaphore_mem>>) src(%dma_wait3A_77 : memref<1000000x16xf32, #tpu.memory_space<hbm>>) dst(%dma_wait3A_71 : memref<128x16xf32, #tpu.memory_space<vmem>>)
      %dma_wait3A_78 = arith.constant 1 : i32
      %dma_wait3A_79 = arith.constant 0 : i32
      %dma_wait3A_80 = arith.constant 0 : i32
      %dma_wait3A_81 = tpu.memref_slice %arg6[%dma_wait3A_78, %dma_wait3A_79, %dma_wait3A_80] : memref<4x128x16xf32, #tpu.memory_space<vmem>> -> memref<1x128x16xf32, #tpu.memory_space<vmem>>
      %dma_wait3A_82 = tpu.memref_squeeze %dma_wait3A_81 : memref<1x128x16xf32, #tpu.memory_space<vmem>> -> memref<128x16xf32, #tpu.memory_space<vmem>>
      %dma_wait3A_83 = arith.constant 0 : i32
      %dma_wait3A_84 = tpu.memref_slice %arg5[%add3A_26, %dma_wait3A_83] : memref<200x128xi32, #tpu.memory_space<vmem>> -> memref<1x128xi32, #tpu.memory_space<vmem>>
      %dma_wait3A_85 = tpu.memref_squeeze %dma_wait3A_84 : memref<1x128xi32, #tpu.memory_space<vmem>> -> memref<128xi32, #tpu.memory_space<vmem>>
      %dma_wait3A_86 = arith.constant 0 : i32
      %dma_wait3A_87 = arith.constant 0 : i32
      %dma_wait3A_88 = tpu.memref_slice %arg2[%dma_wait3A_86, %dma_wait3A_87] : memref<1000000x16xf32, #tpu.memory_space<hbm>> -> memref<1000000x16xf32, #tpu.memory_space<hbm>>
      tpu.wait_indirect_dma semaphore(%arg7 : memref<!tpu.dma_semaphore, #tpu.memory_space<semaphore_mem>>) src(%dma_wait3A_88 : memref<1000000x16xf32, #tpu.memory_space<hbm>>) dst(%dma_wait3A_82 : memref<128x16xf32, #tpu.memory_space<vmem>>)
      %dma_wait3A_89 = arith.constant 2 : i32
      %dma_wait3A_90 = arith.constant 0 : i32
      %dma_wait3A_91 = arith.constant 0 : i32
      %dma_wait3A_92 = tpu.memref_slice %arg6[%dma_wait3A_89, %dma_wait3A_90, %dma_wait3A_91] : memref<4x128x16xf32, #tpu.memory_space<vmem>> -> memref<1x128x16xf32, #tpu.memory_space<vmem>>
      %dma_wait3A_93 = tpu.memref_squeeze %dma_wait3A_92 : memref<1x128x16xf32, #tpu.memory_space<vmem>> -> memref<128x16xf32, #tpu.memory_space<vmem>>
      %dma_wait3A_94 = arith.constant 0 : i32
      %dma_wait3A_95 = tpu.memref_slice %arg5[%add3A_41, %dma_wait3A_94] : memref<200x128xi32, #tpu.memory_space<vmem>> -> memref<1x128xi32, #tpu.memory_space<vmem>>
      %dma_wait3A_96 = tpu.memref_squeeze %dma_wait3A_95 : memref<1x128xi32, #tpu.memory_space<vmem>> -> memref<128xi32, #tpu.memory_space<vmem>>
      %dma_wait3A_97 = arith.constant 0 : i32
      %dma_wait3A_98 = arith.constant 0 : i32
      %dma_wait3A_99 = tpu.memref_slice %arg2[%dma_wait3A_97, %dma_wait3A_98] : memref<1000000x16xf32, #tpu.memory_space<hbm>> -> memref<1000000x16xf32, #tpu.memory_space<hbm>>
      tpu.wait_indirect_dma semaphore(%arg7 : memref<!tpu.dma_semaphore, #tpu.memory_space<semaphore_mem>>) src(%dma_wait3A_99 : memref<1000000x16xf32, #tpu.memory_space<hbm>>) dst(%dma_wait3A_93 : memref<128x16xf32, #tpu.memory_space<vmem>>)
      %dma_wait3A_100 = arith.constant 3 : i32
      %dma_wait3A_101 = arith.constant 0 : i32
      %dma_wait3A_102 = arith.constant 0 : i32
      %dma_wait3A_103 = tpu.memref_slice %arg6[%dma_wait3A_100, %dma_wait3A_101, %dma_wait3A_102] : memref<4x128x16xf32, #tpu.memory_space<vmem>> -> memref<1x128x16xf32, #tpu.memory_space<vmem>>
      %dma_wait3A_104 = tpu.memref_squeeze %dma_wait3A_103 : memref<1x128x16xf32, #tpu.memory_space<vmem>> -> memref<128x16xf32, #tpu.memory_space<vmem>>
      %dma_wait3A_105 = arith.constant 0 : i32
      %dma_wait3A_106 = tpu.memref_slice %arg5[%add3A_56, %dma_wait3A_105] : memref<200x128xi32, #tpu.memory_space<vmem>> -> memref<1x128xi32, #tpu.memory_space<vmem>>
      %dma_wait3A_107 = tpu.memref_squeeze %dma_wait3A_106 : memref<1x128xi32, #tpu.memory_space<vmem>> -> memref<128xi32, #tpu.memory_space<vmem>>
      %dma_wait3A_108 = arith.constant 0 : i32
      %dma_wait3A_109 = arith.constant 0 : i32
      %dma_wait3A_110 = tpu.memref_slice %arg2[%dma_wait3A_108, %dma_wait3A_109] : memref<1000000x16xf32, #tpu.memory_space<hbm>> -> memref<1000000x16xf32, #tpu.memory_space<hbm>>
      tpu.wait_indirect_dma semaphore(%arg7 : memref<!tpu.dma_semaphore, #tpu.memory_space<semaphore_mem>>) src(%dma_wait3A_110 : memref<1000000x16xf32, #tpu.memory_space<hbm>>) dst(%dma_wait3A_104 : memref<128x16xf32, #tpu.memory_space<vmem>>)
      %mul3A_111 = arith.constant 4 : i32
      %mul3A_112 = arith.muli %scan3A_8, %mul3A_111 : i32
      %add3A_113 = arith.constant 0 : i32
      %add3A_114 = arith.addi %mul3A_112, %add3A_113 : i32
      %mul3A_115 = arith.constant 128 : i32
      %mul3A_116 = arith.muli %add3A_114, %mul3A_115 : i32
      %add3A_117 = arith.addi %mul3A_2, %mul3A_116 : i32
      %run_scoped3A = arith.constant 0 : i32
      "tpu.region"() ({
        %run_scoped3A_142 = tpu.sem_alloc : memref<!tpu.dma_semaphore, #tpu.memory_space<semaphore_mem>>
        %dma_start3A_143 = arith.constant 0 : i32
        %dma_start3A_144 = arith.constant 0 : i32
        %dma_start3A_145 = tpu.memref_slice %arg6[%run_scoped3A, %dma_start3A_143, %dma_start3A_144] : memref<4x128x16xf32, #tpu.memory_space<vmem>> -> memref<1x128x16xf32, #tpu.memory_space<vmem>>
        %dma_start3A_146 = tpu.memref_squeeze %dma_start3A_145 : memref<1x128x16xf32, #tpu.memory_space<vmem>> -> memref<128x16xf32, #tpu.memory_space<vmem>>
        %dma_start3A_147 = arith.constant 0 : i32
        %dma_start3A_148 = tpu.memref_slice %arg4[%add3A_117, %dma_start3A_147] : memref<819200x16xf32, #tpu.memory_space<hbm>> -> memref<128x16xf32, #tpu.memory_space<hbm>>
        %dma_start3A_149 = arith.constant 0 : i32
        %dma_start3A_150 = tpu.memref_slice %arg4[%add3A_117, %dma_start3A_149] : memref<819200x16xf32, #tpu.memory_space<hbm>> -> memref<128x16xf32, #tpu.memory_space<hbm>>
        %dma_start3A_151 = arith.constant 0 : i32
        %dma_start3A_152 = arith.constant 0 : i32
        %dma_start3A_153 = tpu.memref_slice %arg6[%run_scoped3A, %dma_start3A_151, %dma_start3A_152] : memref<4x128x16xf32, #tpu.memory_space<vmem>> -> memref<1x128x16xf32, #tpu.memory_space<vmem>>
        %dma_start3A_154 = tpu.memref_squeeze %dma_start3A_153 : memref<1x128x16xf32, #tpu.memory_space<vmem>> -> memref<128x16xf32, #tpu.memory_space<vmem>>
        tpu.enqueue_dma source(%dma_start3A_154 : memref<128x16xf32, #tpu.memory_space<vmem>>) target(%dma_start3A_150 : memref<128x16xf32, #tpu.memory_space<hbm>>) target_semaphore(%run_scoped3A_142 : memref<!tpu.dma_semaphore, #tpu.memory_space<semaphore_mem>>)
        %dma_wait3A_155 = arith.constant 0 : i32
        %dma_wait3A_156 = arith.constant 0 : i32
        %dma_wait3A_157 = tpu.memref_slice %arg6[%run_scoped3A, %dma_wait3A_155, %dma_wait3A_156] : memref<4x128x16xf32, #tpu.memory_space<vmem>> -> memref<1x128x16xf32, #tpu.memory_space<vmem>>
        %dma_wait3A_158 = tpu.memref_squeeze %dma_wait3A_157 : memref<1x128x16xf32, #tpu.memory_space<vmem>> -> memref<128x16xf32, #tpu.memory_space<vmem>>
        %dma_wait3A_159 = arith.constant 0 : i32
        %dma_wait3A_160 = tpu.memref_slice %arg4[%add3A_117, %dma_wait3A_159] : memref<819200x16xf32, #tpu.memory_space<hbm>> -> memref<128x16xf32, #tpu.memory_space<hbm>>
        %dma_wait3A_161 = arith.constant 0 : i32
        %dma_wait3A_162 = tpu.memref_slice %arg4[%add3A_117, %dma_wait3A_161] : memref<819200x16xf32, #tpu.memory_space<hbm>> -> memref<128x16xf32, #tpu.memory_space<hbm>>
        %dma_wait3A_163 = arith.constant 0 : i32
        %dma_wait3A_164 = arith.constant 0 : i32
        %dma_wait3A_165 = tpu.memref_slice %arg6[%run_scoped3A, %dma_wait3A_163, %dma_wait3A_164] : memref<4x128x16xf32, #tpu.memory_space<vmem>> -> memref<1x128x16xf32, #tpu.memory_space<vmem>>
        %dma_wait3A_166 = tpu.memref_squeeze %dma_wait3A_165 : memref<1x128x16xf32, #tpu.memory_space<vmem>> -> memref<128x16xf32, #tpu.memory_space<vmem>>
        tpu.wait_dma2 semaphore(%run_scoped3A_142 : memref<!tpu.dma_semaphore, #tpu.memory_space<semaphore_mem>>) src(%dma_wait3A_166 : memref<128x16xf32, #tpu.memory_space<vmem>>) dst(%dma_wait3A_162 : memref<128x16xf32, #tpu.memory_space<hbm>>)
        tpu.yield
      }) : () -> ()
      %mul3A_118 = arith.constant 4 : i32
      %mul3A_119 = arith.muli %scan3A_8, %mul3A_118 : i32
      %add3A_120 = arith.constant 1 : i32
      %add3A_121 = arith.addi %mul3A_119, %add3A_120 : i32
      %mul3A_122 = arith.constant 128 : i32
      %mul3A_123 = arith.muli %add3A_121, %mul3A_122 : i32
      %add3A_124 = arith.addi %mul3A_2, %mul3A_123 : i32
      %run_scoped3A_125 = arith.constant 1 : i32
      "tpu.region"() ({
        %run_scoped3A_142 = tpu.sem_alloc : memref<!tpu.dma_semaphore, #tpu.memory_space<semaphore_mem>>
        %dma_start3A_143 = arith.constant 0 : i32
        %dma_start3A_144 = arith.constant 0 : i32
        %dma_start3A_145 = tpu.memref_slice %arg6[%run_scoped3A_125, %dma_start3A_143, %dma_start3A_144] : memref<4x128x16xf32, #tpu.memory_space<vmem>> -> memref<1x128x16xf32, #tpu.memory_space<vmem>>
        %dma_start3A_146 = tpu.memref_squeeze %dma_start3A_145 : memref<1x128x16xf32, #tpu.memory_space<vmem>> -> memref<128x16xf32, #tpu.memory_space<vmem>>
        %dma_start3A_147 = arith.constant 0 : i32
        %dma_start3A_148 = tpu.memref_slice %arg4[%add3A_124, %dma_start3A_147] : memref<819200x16xf32, #tpu.memory_space<hbm>> -> memref<128x16xf32, #tpu.memory_space<hbm>>
        %dma_start3A_149 = arith.constant 0 : i32
        %dma_start3A_150 = tpu.memref_slice %arg4[%add3A_124, %dma_start3A_149] : memref<819200x16xf32, #tpu.memory_space<hbm>> -> memref<128x16xf32, #tpu.memory_space<hbm>>
        %dma_start3A_151 = arith.constant 0 : i32
        %dma_start3A_152 = arith.constant 0 : i32
        %dma_start3A_153 = tpu.memref_slice %arg6[%run_scoped3A_125, %dma_start3A_151, %dma_start3A_152] : memref<4x128x16xf32, #tpu.memory_space<vmem>> -> memref<1x128x16xf32, #tpu.memory_space<vmem>>
        %dma_start3A_154 = tpu.memref_squeeze %dma_start3A_153 : memref<1x128x16xf32, #tpu.memory_space<vmem>> -> memref<128x16xf32, #tpu.memory_space<vmem>>
        tpu.enqueue_dma source(%dma_start3A_154 : memref<128x16xf32, #tpu.memory_space<vmem>>) target(%dma_start3A_150 : memref<128x16xf32, #tpu.memory_space<hbm>>) target_semaphore(%run_scoped3A_142 : memref<!tpu.dma_semaphore, #tpu.memory_space<semaphore_mem>>)
        %dma_wait3A_155 = arith.constant 0 : i32
        %dma_wait3A_156 = arith.constant 0 : i32
        %dma_wait3A_157 = tpu.memref_slice %arg6[%run_scoped3A_125, %dma_wait3A_155, %dma_wait3A_156] : memref<4x128x16xf32, #tpu.memory_space<vmem>> -> memref<1x128x16xf32, #tpu.memory_space<vmem>>
        %dma_wait3A_158 = tpu.memref_squeeze %dma_wait3A_157 : memref<1x128x16xf32, #tpu.memory_space<vmem>> -> memref<128x16xf32, #tpu.memory_space<vmem>>
        %dma_wait3A_159 = arith.constant 0 : i32
        %dma_wait3A_160 = tpu.memref_slice %arg4[%add3A_124, %dma_wait3A_159] : memref<819200x16xf32, #tpu.memory_space<hbm>> -> memref<128x16xf32, #tpu.memory_space<hbm>>
        %dma_wait3A_161 = arith.constant 0 : i32
        %dma_wait3A_162 = tpu.memref_slice %arg4[%add3A_124, %dma_wait3A_161] : memref<819200x16xf32, #tpu.memory_space<hbm>> -> memref<128x16xf32, #tpu.memory_space<hbm>>
        %dma_wait3A_163 = arith.constant 0 : i32
        %dma_wait3A_164 = arith.constant 0 : i32
        %dma_wait3A_165 = tpu.memref_slice %arg6[%run_scoped3A_125, %dma_wait3A_163, %dma_wait3A_164] : memref<4x128x16xf32, #tpu.memory_space<vmem>> -> memref<1x128x16xf32, #tpu.memory_space<vmem>>
        %dma_wait3A_166 = tpu.memref_squeeze %dma_wait3A_165 : memref<1x128x16xf32, #tpu.memory_space<vmem>> -> memref<128x16xf32, #tpu.memory_space<vmem>>
        tpu.wait_dma2 semaphore(%run_scoped3A_142 : memref<!tpu.dma_semaphore, #tpu.memory_space<semaphore_mem>>) src(%dma_wait3A_166 : memref<128x16xf32, #tpu.memory_space<vmem>>) dst(%dma_wait3A_162 : memref<128x16xf32, #tpu.memory_space<hbm>>)
        tpu.yield
      }) : () -> ()
      %mul3A_126 = arith.constant 4 : i32
      %mul3A_127 = arith.muli %scan3A_8, %mul3A_126 : i32
      %add3A_128 = arith.constant 2 : i32
      %add3A_129 = arith.addi %mul3A_127, %add3A_128 : i32
      %mul3A_130 = arith.constant 128 : i32
      %mul3A_131 = arith.muli %add3A_129, %mul3A_130 : i32
      %add3A_132 = arith.addi %mul3A_2, %mul3A_131 : i32
      %run_scoped3A_133 = arith.constant 2 : i32
      "tpu.region"() ({
        %run_scoped3A_142 = tpu.sem_alloc : memref<!tpu.dma_semaphore, #tpu.memory_space<semaphore_mem>>
        %dma_start3A_143 = arith.constant 0 : i32
        %dma_start3A_144 = arith.constant 0 : i32
        %dma_start3A_145 = tpu.memref_slice %arg6[%run_scoped3A_133, %dma_start3A_143, %dma_start3A_144] : memref<4x128x16xf32, #tpu.memory_space<vmem>> -> memref<1x128x16xf32, #tpu.memory_space<vmem>>
        %dma_start3A_146 = tpu.memref_squeeze %dma_start3A_145 : memref<1x128x16xf32, #tpu.memory_space<vmem>> -> memref<128x16xf32, #tpu.memory_space<vmem>>
        %dma_start3A_147 = arith.constant 0 : i32
        %dma_start3A_148 = tpu.memref_slice %arg4[%add3A_132, %dma_start3A_147] : memref<819200x16xf32, #tpu.memory_space<hbm>> -> memref<128x16xf32, #tpu.memory_space<hbm>>
        %dma_start3A_149 = arith.constant 0 : i32
        %dma_start3A_150 = tpu.memref_slice %arg4[%add3A_132, %dma_start3A_149] : memref<819200x16xf32, #tpu.memory_space<hbm>> -> memref<128x16xf32, #tpu.memory_space<hbm>>
        %dma_start3A_151 = arith.constant 0 : i32
        %dma_start3A_152 = arith.constant 0 : i32
        %dma_start3A_153 = tpu.memref_slice %arg6[%run_scoped3A_133, %dma_start3A_151, %dma_start3A_152] : memref<4x128x16xf32, #tpu.memory_space<vmem>> -> memref<1x128x16xf32, #tpu.memory_space<vmem>>
        %dma_start3A_154 = tpu.memref_squeeze %dma_start3A_153 : memref<1x128x16xf32, #tpu.memory_space<vmem>> -> memref<128x16xf32, #tpu.memory_space<vmem>>
        tpu.enqueue_dma source(%dma_start3A_154 : memref<128x16xf32, #tpu.memory_space<vmem>>) target(%dma_start3A_150 : memref<128x16xf32, #tpu.memory_space<hbm>>) target_semaphore(%run_scoped3A_142 : memref<!tpu.dma_semaphore, #tpu.memory_space<semaphore_mem>>)
        %dma_wait3A_155 = arith.constant 0 : i32
        %dma_wait3A_156 = arith.constant 0 : i32
        %dma_wait3A_157 = tpu.memref_slice %arg6[%run_scoped3A_133, %dma_wait3A_155, %dma_wait3A_156] : memref<4x128x16xf32, #tpu.memory_space<vmem>> -> memref<1x128x16xf32, #tpu.memory_space<vmem>>
        %dma_wait3A_158 = tpu.memref_squeeze %dma_wait3A_157 : memref<1x128x16xf32, #tpu.memory_space<vmem>> -> memref<128x16xf32, #tpu.memory_space<vmem>>
        %dma_wait3A_159 = arith.constant 0 : i32
        %dma_wait3A_160 = tpu.memref_slice %arg4[%add3A_132, %dma_wait3A_159] : memref<819200x16xf32, #tpu.memory_space<hbm>> -> memref<128x16xf32, #tpu.memory_space<hbm>>
        %dma_wait3A_161 = arith.constant 0 : i32
        %dma_wait3A_162 = tpu.memref_slice %arg4[%add3A_132, %dma_wait3A_161] : memref<819200x16xf32, #tpu.memory_space<hbm>> -> memref<128x16xf32, #tpu.memory_space<hbm>>
        %dma_wait3A_163 = arith.constant 0 : i32
        %dma_wait3A_164 = arith.constant 0 : i32
        %dma_wait3A_165 = tpu.memref_slice %arg6[%run_scoped3A_133, %dma_wait3A_163, %dma_wait3A_164] : memref<4x128x16xf32, #tpu.memory_space<vmem>> -> memref<1x128x16xf32, #tpu.memory_space<vmem>>
        %dma_wait3A_166 = tpu.memref_squeeze %dma_wait3A_165 : memref<1x128x16xf32, #tpu.memory_space<vmem>> -> memref<128x16xf32, #tpu.memory_space<vmem>>
        tpu.wait_dma2 semaphore(%run_scoped3A_142 : memref<!tpu.dma_semaphore, #tpu.memory_space<semaphore_mem>>) src(%dma_wait3A_166 : memref<128x16xf32, #tpu.memory_space<vmem>>) dst(%dma_wait3A_162 : memref<128x16xf32, #tpu.memory_space<hbm>>)
        tpu.yield
      }) : () -> ()
      %mul3A_134 = arith.constant 4 : i32
      %mul3A_135 = arith.muli %scan3A_8, %mul3A_134 : i32
      %add3A_136 = arith.constant 3 : i32
      %add3A_137 = arith.addi %mul3A_135, %add3A_136 : i32
      %mul3A_138 = arith.constant 128 : i32
      %mul3A_139 = arith.muli %add3A_137, %mul3A_138 : i32
      %add3A_140 = arith.addi %mul3A_2, %mul3A_139 : i32
      %run_scoped3A_141 = arith.constant 3 : i32
      "tpu.region"() ({
        %run_scoped3A_142 = tpu.sem_alloc : memref<!tpu.dma_semaphore, #tpu.memory_space<semaphore_mem>>
        %dma_start3A_143 = arith.constant 0 : i32
        %dma_start3A_144 = arith.constant 0 : i32
        %dma_start3A_145 = tpu.memref_slice %arg6[%run_scoped3A_141, %dma_start3A_143, %dma_start3A_144] : memref<4x128x16xf32, #tpu.memory_space<vmem>> -> memref<1x128x16xf32, #tpu.memory_space<vmem>>
        %dma_start3A_146 = tpu.memref_squeeze %dma_start3A_145 : memref<1x128x16xf32, #tpu.memory_space<vmem>> -> memref<128x16xf32, #tpu.memory_space<vmem>>
        %dma_start3A_147 = arith.constant 0 : i32
        %dma_start3A_148 = tpu.memref_slice %arg4[%add3A_140, %dma_start3A_147] : memref<819200x16xf32, #tpu.memory_space<hbm>> -> memref<128x16xf32, #tpu.memory_space<hbm>>
        %dma_start3A_149 = arith.constant 0 : i32
        %dma_start3A_150 = tpu.memref_slice %arg4[%add3A_140, %dma_start3A_149] : memref<819200x16xf32, #tpu.memory_space<hbm>> -> memref<128x16xf32, #tpu.memory_space<hbm>>
        %dma_start3A_151 = arith.constant 0 : i32
        %dma_start3A_152 = arith.constant 0 : i32
        %dma_start3A_153 = tpu.memref_slice %arg6[%run_scoped3A_141, %dma_start3A_151, %dma_start3A_152] : memref<4x128x16xf32, #tpu.memory_space<vmem>> -> memref<1x128x16xf32, #tpu.memory_space<vmem>>
        %dma_start3A_154 = tpu.memref_squeeze %dma_start3A_153 : memref<1x128x16xf32, #tpu.memory_space<vmem>> -> memref<128x16xf32, #tpu.memory_space<vmem>>
        tpu.enqueue_dma source(%dma_start3A_154 : memref<128x16xf32, #tpu.memory_space<vmem>>) target(%dma_start3A_150 : memref<128x16xf32, #tpu.memory_space<hbm>>) target_semaphore(%run_scoped3A_142 : memref<!tpu.dma_semaphore, #tpu.memory_space<semaphore_mem>>)
        %dma_wait3A_155 = arith.constant 0 : i32
        %dma_wait3A_156 = arith.constant 0 : i32
        %dma_wait3A_157 = tpu.memref_slice %arg6[%run_scoped3A_141, %dma_wait3A_155, %dma_wait3A_156] : memref<4x128x16xf32, #tpu.memory_space<vmem>> -> memref<1x128x16xf32, #tpu.memory_space<vmem>>
        %dma_wait3A_158 = tpu.memref_squeeze %dma_wait3A_157 : memref<1x128x16xf32, #tpu.memory_space<vmem>> -> memref<128x16xf32, #tpu.memory_space<vmem>>
        %dma_wait3A_159 = arith.constant 0 : i32
        %dma_wait3A_160 = tpu.memref_slice %arg4[%add3A_140, %dma_wait3A_159] : memref<819200x16xf32, #tpu.memory_space<hbm>> -> memref<128x16xf32, #tpu.memory_space<hbm>>
        %dma_wait3A_161 = arith.constant 0 : i32
        %dma_wait3A_162 = tpu.memref_slice %arg4[%add3A_140, %dma_wait3A_161] : memref<819200x16xf32, #tpu.memory_space<hbm>> -> memref<128x16xf32, #tpu.memory_space<hbm>>
        %dma_wait3A_163 = arith.constant 0 : i32
        %dma_wait3A_164 = arith.constant 0 : i32
        %dma_wait3A_165 = tpu.memref_slice %arg6[%run_scoped3A_141, %dma_wait3A_163, %dma_wait3A_164] : memref<4x128x16xf32, #tpu.memory_space<vmem>> -> memref<1x128x16xf32, #tpu.memory_space<vmem>>
        %dma_wait3A_166 = tpu.memref_squeeze %dma_wait3A_165 : memref<1x128x16xf32, #tpu.memory_space<vmem>> -> memref<128x16xf32, #tpu.memory_space<vmem>>
        tpu.wait_dma2 semaphore(%run_scoped3A_142 : memref<!tpu.dma_semaphore, #tpu.memory_space<semaphore_mem>>) src(%dma_wait3A_166 : memref<128x16xf32, #tpu.memory_space<vmem>>) dst(%dma_wait3A_162 : memref<128x16xf32, #tpu.memory_space<hbm>>)
        tpu.yield
      }) : () -> ()
    }
    %scan3A_7 = arith.constant 50 : i32
    return
  }
}

module attributes {stable_mosaic.version = 14 : i64} {
  func.func @_transform_body(%arg0: i32, %arg1: memref<1000x512xf32, #tpu.memory_space<vmem>>, %arg2: memref<512x128xf32, #tpu.memory_space<vmem>>, %arg3: memref<1x128xf32, #tpu.memory_space<vmem>>, %arg4: memref<1000x128xf32, #tpu.memory_space<vmem>>) attributes {dimension_semantics = [#tpu.dimension_semantics<arbitrary>], iteration_bounds = array<i64: 125>, scalar_prefetch = 0 : i64, scratch_operands = 0 : i64, tpu.core_type = #tpu.core_type<tc>, window_params = [{transform_indices = @transform_0, window_bounds = array<i64: 1000, 512>}, {pipeline_mode = #tpu.pipeline_mode<synchronous>, transform_indices = @transform_1, window_bounds = array<i64: 512, 128>}, {pipeline_mode = #tpu.pipeline_mode<synchronous>, transform_indices = @transform_2, window_bounds = array<i64: 1, 128>}, {transform_indices = @transform_3, window_bounds = array<i64: 1000, 128>}]} {
    %get3A = arith.constant 0 : index
    %get3A_0 = arith.constant 0 : index
    %get3A_1 = vector.load %arg1[%get3A, %get3A_0] : memref<1000x512xf32, #tpu.memory_space<vmem>>, vector<1000x512xf32>
    %tanh3A = math.tanh %get3A_1 : vector<1000x512xf32>
    %get3A_2 = arith.constant 0 : index
    %get3A_3 = arith.constant 0 : index
    %get3A_4 = vector.load %arg2[%get3A_2, %get3A_3] : memref<512x128xf32, #tpu.memory_space<vmem>>, vector<512x128xf32>
    %dot_general3A = arith.constant dense<0.000000e+00> : vector<1000x128xf32>
    %dot_general3A_5 = tpu.matmul %tanh3A, %get3A_4, %dot_general3A {dimension_numbers = #tpu.dot_dimension_numbers<[1], [0], [0], [1], [0, 0, 1, 1], [], []>, transpose_lhs_hint = false} : vector<1000x512xf32>, vector<512x128xf32>, vector<1000x128xf32> -> vector<1000x128xf32>
    %get3A_6 = arith.constant 0 : index
    %get3A_7 = arith.constant 0 : index
    %get3A_8 = vector.load %arg3[%get3A_6, %get3A_7] : memref<1x128xf32, #tpu.memory_space<vmem>>, vector<1x128xf32>
    %add3A = vector.broadcast %get3A_8 : vector<1x128xf32> to vector<1000x128xf32>
    %add3A_9 = arith.addf %dot_general3A_5, %add3A : vector<1000x128xf32>
    %swap3A = arith.constant 0 : index
    %swap3A_10 = arith.constant 0 : index
    %swap3A_11 = vector.load %arg4[%swap3A, %swap3A_10] : memref<1000x128xf32, #tpu.memory_space<vmem>>, vector<1000x128xf32>
    tpu.vector_store %arg4[%swap3A, %swap3A_10], %add3A_9 {strides = array<i32>} : memref<1000x128xf32, #tpu.memory_space<vmem>>, vector<1000x128xf32>,
    return
  }
  func.func @transform_0(%arg0: i32) -> (i32, i32) {
    %c0_i32 = arith.constant 0 : i32
    %c0_i32_0 = arith.constant 0 : i32
    return %arg0, %c0_i32 : i32, i32
  }
  func.func @transform_1(%arg0: i32) -> (i32, i32) {
    %c0_i32 = arith.constant 0 : i32
    %c0_i32_0 = arith.constant 0 : i32
    %c0_i32_1 = arith.constant 0 : i32
    return %c0_i32, %c0_i32_0 : i32, i32
  }
  func.func @transform_2(%arg0: i32) -> (i32, i32) {
    %c0_i32 = arith.constant 0 : i32
    %c0_i32_0 = arith.constant 0 : i32
    %c0_i32_1 = arith.constant 0 : i32
    return %c0_i32, %c0_i32_0 : i32, i32
  }
  func.func @transform_3(%arg0: i32) -> (i32, i32) {
    %c0_i32 = arith.constant 0 : i32
    %c0_i32_0 = arith.constant 0 : i32
    return %arg0, %c0_i32 : i32, i32
  }
}

</mosaic_0001>

<sc_bundles>
// kernel: kernel.4.cloned.1.call-start
scs
__scs_entry_jumppad:
0x0: {  	(pc) =	sbr.rel $0x88, $3  }
0x1: {  	(tag) =	ssettag $0x0;
	lr =	simm.s32 $0x1  }
0x2: {  	[smem:$0x3F9D] =	sst lr;
	_ =	strace $0xD0000000  }
0x3: {  	_ = 	snop  }
0x4: {  	_ = 	snop  }
0x5: {  	_ = 	snop  }
0x6: {  	_ = 	snop  }
0x7: {  	_ = 	snop  }
__scs_overlays_trampoline_lowered:
0x8: {  	[smem:$0x3FAC] =	sst s0  }
0x9: {  	[smem:$0x3FAD] =	sst s1  }
0xa: {  	[smem:$0x3FAE] =	sst s2  }
0xb: {  	[smem:$0x3FAF] =	sst s3  }
0xc: {  	[smem:$0x3FB0] =	sst s4  }
0xd: {  	[smem:$0x3FB1] =	sst s5  }
0xe: {  	[smem:$0x3FB2] =	sst s6  }
0xf: {  	[smem:$0x3FB3] =	sst s7  }
0x10: {  	[smem:$0x3FB4] =	sst s8  }
0x11: {  	[smem:$0x3FB5] =	sst s9;
	s0 =	simm.s32 @!p0 $0x0  }
0x12: {  	s1 =	sld [smem:$0x3F9B];
	s0 =	simm.s32 @p0 $0x1  }
0x13: {  	[smem:$0x3FB6] =	sst s0;
	s0 =	simm.s32 @!p1 $0x0  }
0x14: {  	s2 =	sld [smem:$0x3F9A];
	s0 =	simm.s32 @p1 $0x1  }
0x15: {  	[smem:$0x3FB7] =	sst s0;
	s0 =	simm.s32 @!p2 $0x0  }
0x16: {  	s3 =	sld [smem:$0x3FDB];
	s0 =	simm.s32 @p2 $0x1  }
0x17: {  	s4 =	simm.s32 $0x1BF5;
	[smem:$0x3FB9] =	sst s0  }
0x18: {  	s0 =	sld [smem:$0x3F9C];
	_ =	swait.ge [sflag:s4], $0x0  }
0x19: {  	s7 =	sld [smem:$0x3F9D]  }
0x1a: {  	s8 =	sadd.s32 $0xFFFFE003, lr  }
0x1b: {  	s9 =	sadd.s32 $0xFFFFFEF7, lr;
	s5 =	simm.s32 $0xFFFFFFFF;
	p2 =	slt.u32 s8, $0xFFFFF086  }
0x1c: {  	p1 =	slt.u32 s9, $0xF7A;
	s5 =	simm.s32 @!p2 $0x0  }
0x1d: {  	s5 =	simm.s32 @p1 $0x1;
	p0 =	seq.s32 s7, s2  }
0x1e: {  	s7 =	smul.u32 @!p0 $0xF7A, s2;
	p2 =	seq.s32 @!p0 s5, $0x0  }
0x1f: {  	s9 =	smul.u32 $0xF7A, s1;
	s8 =	simm.s32 @!p0 $0x1BF5;
	p2 =	por !p2, p0  }
0x20: {  	[sflag:s8] =	ssyncset.s32 @!p0 $0xFFFFF086;
	s6 =	sadd.s32 @!p0 s3, s7;
	s7 =	simm.s32 @!p0 $0x108  }
0x21: {  	s3 =	sadd.s32 s3, s9;
	s6 =	sadd.s32 @!p0 $0x88, s6;
	s7 =	simm.s32 @p2 $0x1082  }
0x22: {  	[simem:s7], [sflag:s8] =	dma.local @!p0 [hbm:s6], $0xF7A  }
0x23: {  	s9 =	sor.u32 $0xD0000000, s2;
	s6 =	simm.s32 $0x108;
	_ =	swait.ge @!p0 [sflag:s8], $0x0  }
0x24: {  	s3 =	sadd.s32 $0x88, s3;
	s6 =	simm.s32 @!p1 $0x1082;
	[sflag:s4] =	ssyncset.s32 $0xFFFFF086  }
0x25: {  	[simem:s6], [sflag:s4] =	dma.local [hbm:s3], $0xF7A  }
0x26: {  	[smem:$0x3F9D] =	sst s1;
	(tag) =	ssettag s2;
	_ =	strace s9  }
0x27: {  	s1 =	sld [smem:$0x3FAD]  }
0x28: {  	s2 =	sld [smem:$0x3FAE]  }
0x29: {  	s4 =	sld [smem:$0x3FB0]  }
0x2a: {  	p0 =	seq.s32 s5, $0x0;
	s5 =	sld [smem:$0x3FB1]  }
0x2b: {  	s6 =	sld [smem:$0x3FB2]  }
0x2c: {  	s7 =	sld [smem:$0x3FB3]  }
0x2d: {  	s3 =	simm.s32 $0x108;
	s8 =	sld [smem:$0x3FB4]  }
0x2e: {  	s3 =	simm.s32 @!p0 $0x1082;
	s9 =	sld [smem:$0x3FB5]  }
0x2f: {  	lr =	sadd.s32 s0, s3;
	s0 =	sld [smem:$0x3FAC]  }
0x30: {  	s3 =	sld [smem:$0x3FAF]  }
0x31: {  	[smem:$0x3FB8] =	sst s10  }
0x32: {  	s10 =	sld [smem:$0x3FB6];
	_ =	sdelay $0x3  }
0x33: {  	p0 =	seq.s32 s10, $0x1;
	s10 =	sld [smem:$0x3FB8];
	_ =	sdelay $0x3  }
0x34: {  	[smem:$0x3FB8] =	sst s10  }
0x35: {  	s10 =	sld [smem:$0x3FB7];
	_ =	sdelay $0x3  }
0x36: {  	p1 =	seq.s32 s10, $0x1;
	s10 =	sld [smem:$0x3FB8];
	_ =	sdelay $0x3  }
0x37: {  	[smem:$0x3FB8] =	sst s10  }
0x38: {  	s10 =	sld [smem:$0x3FB9]  }
0x39: {  	_ = 	snop;
	(pc) =	sbr.ind lr, $3  }
0x3a: {  	_ = 	snop  }
0x3b: {  	_ = 	snop  }
0x3c: {  	p2 =	seq.s32 s10, $0x1;
	s10 =	sld [smem:$0x3FB8]  }
0x3d: {  	_ =	shalt  }
0x3e: {  	_ =	shalt  }
0x3f: {  	_ =	shalt  }
0x40: {  	_ =	shalt  }
0x41: {  	_ =	shalt  }
0x42: {  	_ =	shalt  }
0x43: {  	_ =	shalt  }
0x44: {  	_ =	shalt  }
0x45: {  	_ =	shalt  }
0x46: {  	_ =	shalt  }
0x47: {  	_ =	shalt  }
0x48: {  	_ =	shalt  }
0x49: {  	_ =	shalt  }
0x4a: {  	_ =	shalt  }
0x4b: {  	_ =	shalt  }
0x4c: {  	_ =	shalt  }
0x4d: {  	_ =	shalt  }
0x4e: {  	_ =	shalt  }
0x4f: {  	_ =	shalt  }
0x50: {  	_ =	shalt  }
0x51: {  	_ =	shalt  }
0x52: {  	_ =	shalt  }
0x53: {  	_ =	shalt  }
0x54: {  	_ =	shalt  }
0x55: {  	_ =	shalt  }
0x56: {  	_ =	shalt  }
0x57: {  	_ =	shalt  }
0x58: {  	_ =	shalt  }
0x59: {  	_ =	shalt  }
0x5a: {  	_ =	shalt  }
0x5b: {  	_ =	shalt  }
0x5c: {  	_ =	shalt  }
0x5d: {  	_ =	shalt  }
0x5e: {  	_ =	shalt  }
0x5f: {  	_ =	shalt  }
0x60: {  	_ =	shalt  }
0x61: {  	_ =	shalt  }
0x62: {  	_ =	shalt  }
0x63: {  	_ =	shalt  }
0x64: {  	_ =	shalt  }
0x65: {  	_ =	shalt  }
0x66: {  	_ =	shalt  }
0x67: {  	_ =	shalt  }
0x68: {  	_ =	shalt  }
0x69: {  	_ =	shalt  }
0x6a: {  	_ =	shalt  }
0x6b: {  	_ =	shalt  }
0x6c: {  	_ =	shalt  }
0x6d: {  	_ =	shalt  }
0x6e: {  	_ =	shalt  }
0x6f: {  	_ =	shalt  }
0x70: {  	_ =	shalt  }
0x71: {  	_ =	shalt  }
0x72: {  	_ =	shalt  }
0x73: {  	_ =	shalt  }
0x74: {  	_ =	shalt  }
0x75: {  	_ =	shalt  }
0x76: {  	_ =	shalt  }
0x77: {  	_ =	shalt  }
0x78: {  	_ =	shalt  }
0x79: {  	_ =	shalt  }
0x7a: {  	_ =	shalt  }
0x7b: {  	_ =	shalt  }
0x7c: {  	_ =	shalt  }
0x7d: {  	_ =	shalt  }
0x7e: {  	_ =	shalt  }
0x7f: {  	_ =	shalt  }
0x80: {  	_ =	shalt  }
0x81: {  	_ =	shalt  }
0x82: {  	_ =	shalt  }
0x83: {  	_ =	shalt  }
0x84: {  	_ =	shalt  }
0x85: {  	_ =	shalt  }
0x86: {  	_ =	shalt  }
0x87: {  	_ =	shalt  }
.Lfunc_end0:
.L_simem_size_0:
called_computation_lowered:
.L_overlay_start_0:
0x88: {  	s2 =	sld [smem:$0x3FD9]  }
0x89: {  	s3 =	sld [smem:$0x3FFE];
	_ =	sdelay $0x1  }
0x8a: {  	s1 =	srdreg.scid  }
0x8b: {  	s0 =	sand.u32 $0x1, s1  }
0x8c: {  	s17 =	sshll.u32 s0, $0xA;
	s2 =	sadd.s32 s3, s2  }
0x8d: {  	s2 =	sadd.s32 s2, s17  }
0x8e: {  	[smem:$0x3FC4] =	sst s2  }
0x8f: {  	_ = 	snop  }
0x90: {  	s2 =	sld [smem:$0x3FD0];
	(tm) =	ssettm $0x1  }
0x91: {  	s18 =	sld [smem:$0x3FFB];
	_ =	sdelay $0x3  }
0x92: {  	_ =	strace s18  }
0x93: {  	s3 =	sld [smem:$0x3FFC];
	_ =	sdelay $0x3  }
0x94: {  	_ =	strace s3  }
0x95: {  	s3 =	sld [smem:$0x3FFD];
	_ =	sdelay $0x3  }
0x96: {  	_ =	strace s3  }
0x97: {  	_ =	strace $0x8FFFFFFF  }
0x98: {  	s19 =	sld [smem:$0x3FDB];
	_ =	sdelay $0x1  }
0x99: {  	s4 =	simm.s32 $_scs_section_size  }
0x9a: {  	s5 =	simm.s32 $_size__tile_overlayer_lowered;
	s6 =	simm.s32 $_tile_overlayer_lowered  }
0x9b: {  	s22 =	simm.s32 $0x1BFF;
	s21 =	sshll.u32 s6, $0x1;
	s3 =	sadd.s32 s4, s19  }
0x9c: {  	s7 =	simm.s32 $0x0;
	s20 =	sshll.u32 s5, $0x1;
	s5 =	sadd.s32 s21, s3  }
0x9d: {  	[timem:s7], [sflag:s22] =	dma.local [hbm:s5], s20  }
0x9e: {  	_ =	swait.ge [sflag:s22], s20  }
0x9f: {  	s4 =	ssub.s32 $0x0, s20;
	[sflag:s22] =	ssyncset.done $0x0  }
0xa0: {  	[sflag:s22] =	ssyncadd.s32 s4;
	_ =	sdelay $0x1  }
0xa1: {  	s23 =	simm.s32 $0x1B8B  }
0xa2: {  	_ =	swait.ge [sflag:s23], $0x1  }
0xa3: {  	[sflag:s23] =	ssyncset.done $0x0  }
0xa4: {  	s25 =	simm.s32 $0x1B8E;
	s24 =	sld [smem:$0x3FFE];
	[sflag:s23] =	ssyncadd.s32 $0xFFFFFFFF  }
0xa5: {  	s26 =	simm.s32 $execute0_lowered;
	[smem:$0x3FD2] =	sst s25  }
0xa6: {  	s5 =	sshll.u32 s26, $0x1;
	_ =	strace $0x80000046;
	[dreg:$0x1] =	wrdreg $0xFFFFFFFF  }
0xa7: {  	s28 =	simm.s32 $_size_execute0_lowered;
	s3 =	sadd.s32 s3, s5;
	[dreg:$0x0] =	wrdreg $0x0  }
0xa8: {  	s5 =	sshll.u32 s28, $0x1;
	[dreg:$0x2] =	wrdreg s3  }
0xa9: {  	[dreg:$0x3] =	wrdreg s5  }
0xaa: {  	[dreg:$0x4] =	wrdreg $0xC0  }
0xab: {  	_ =	task [dreg:s7], $0x5FFFF  }
0xac: {  	[dreg:$0x1] =	wrdreg $0xFFFFFFFF  }
0xad: {  	[dreg:$0x0] =	wrdreg $0x60  }
0xae: {  	[dreg:$0x2] =	wrdreg s24  }
0xaf: {  	[dreg:$0x3] =	wrdreg s2  }
0xb0: {  	[dreg:$0x4] =	wrdreg $0x9  }
0xb1: {  	_ =	task.clear_ibuf [dreg:s7], $0x5FFFF;
	_ =	strace $0x90000046  }
0xb2: {  	s29 =	simm.s32 $0x9;
	_ =	strace $0x80000048  }
0xb3: {  	_ =	swait.ge [sflag:s29], $0x1  }
0xb4: {  	[sflag:s29] =	ssyncadd.s32 $0xFFFFFFFF  }
0xb5: {  	_ =	strace $0x90000048  }
0xb6: {  	_ =	sfence  }
0xb7: {  	s30 =	sld [smem:$0x0];
	_ =	sdelay $0x2  }
0xb8: {  	s31 =	sshll.u32 s1, $0xD;
	s1 =	sshrl.u32 s1, $0x2  }
0xb9: {  	s3 =	sand.u32 $0x4000, s31;
	s1 =	sadd.s32 s1, s30  }
0xba: {  	s0 =	sor.u32 s3, s0;
	s1 =	sshll.u32 s1, $0x11  }
0xbb: {  	s0 =	sor.u32 s1, s0  }
0xbc: {  	s0 =	sadd.s32 $0x8F2B, s0  }
0xbd: {  	[sflag:s0] =	ssyncadd.remote.s32 $0x1  }
0xbe: {  	_ =	sfence.sel $0xFFFF  }
0xbf: {  	[dreg:$0x0] =	wrdreg $0xFFFFFFFF;
	(pc) =	sbr.abs _section_cstart, $3  }
0xc0: {  	[dreg:$0x1] =	wrdreg $0xFFFFFFFF  }
0xc1: {  	_ =	task.clear_ibuf [dreg:s7], $0x2FFFF;
	_ =	strace $0x9FFFFFFF  }
0xc2: {  	(tm) =	ssettm $0x7FFFFFFF  }
0xc3: {  	_ =	shalt  }
tec
execute0_lowered:
.L_overlay_start_1:
0x0: {  	(tag) =	ssettag $0x1  }
0x1: {  	s1 =	srdreg.scid;
	s4 =	rddreg [dreg:$0x0]  }
0x2: {  	s0 =	stileid.u32;
	s6 =	rddreg [dreg:$0x1];
	s2 =	simm.s32 $0x0  }
0x3: {  	s13 =	simm.s32 $0x6C00;
	s14 =	simm.s32 $0x7400;
	s15 =	simm.s32 $0x7C00  }
0x4: {  	s16 =	simm.s32 $0x1;
	s17 =	simm.s32 $0x0;
	s5 =	sand.u32 $0x1, s1  }
0x5: {  	s25 =	sshll.u32 s0, $0x1;
	s1 =	rddreg [dreg:$0x2];
	s8 =	smul.u32 $0xC8000, s0  }
0x6: {  	[smem:$0x7FF] =	sst s2;
	s9 =	smul.u32 $0xC800, s0;
	s12 =	sadd.s32 $0x1E8E00, s4  }
0x7: {  	s3 =	sor.u32 s5, s25;
	s10 =	ssub.s32 $0x2, s5;
	s11 =	smul.u32 $0x6400, s5  }
0x8: {  	_ =	strace $0x80000047;
	s5 =	smul.u32 $0x64000, s5;
	s26 =	sshrl.u32 s10, $0x1  }
0x9: {  	s7 =	smul.u32 $0x6400, s3;
	s3 =	sadd.s32 $0x800, s4;
	s10 =	ssub.s32 s10, s26  }
0xa: {  	s29 =	sadd.s32 s11, s9;
	s30 =	sadd.s32 s5, s8;
	s11 =	simm.s32 $0x80  }
0xb: {  	s28 =	sshrl.u32 s7, $0x3;
	s7 =	sshll.u32 s29, $0x1;
	s5 =	smax.u32 s10, $0x1  }
0xc: {  	s4 =	sadd.s32 s6, s28;
	s6 =	sshrl.u32 s30, $0x3;
	s31 =	sadd.s32 s7, s12  }
0xd: {  	s10 =	simm.s32 $0x2;
	s6 =	sadd.s32 s6, s12;
	s7 =	sadd.s32 $0x200, s31  }
0xe: {  	s8 =	sadd.s32 $0x100, s31;
	s9 =	sadd.s32 $0x300, s31;
	s12 =	simm.s32 $0x6400  }
.LBB2_1:
0xf: {  	[tilespmem:s2], [sflag:$0x2] =	stream.linear.gather [hbm4b:s4+s2], $0x6400, $0x38;
	[tilespmem:$0x8400] =	vst v63  }
0x10: {  	_ =	swait.ge [sflag:s10], $0x6400  }
0x11: {  	[sflag:s10] =	ssyncset.done $0x0  }
0x12: {  	[sflag:s10] =	ssyncadd.s32 $0xFFFF9C00  }
0x13: {  	[tilespmem:s12], [sflag:$0x1] =	stream.indirect.gather [hbm4b:s3+s11], $0x10, s2, s11, $0xb8;
	[tilespmem:$0x8400] =	vst v63  }
0x14: {  	s18 =	simm.s32 $0x80  }
0x15: {  	[tilespmem:s13], [sflag:$0x1] =	stream.indirect.gather [hbm4b:s3+s11], $0x10, s18, s11, $0xb8;
	[tilespmem:$0x8400] =	vst v63  }
0x16: {  	s25 =	simm.s32 $0x100  }
0x17: {  	[tilespmem:s14], [sflag:$0x1] =	stream.indirect.gather [hbm4b:s3+s11], $0x10, s25, s11, $0xb8;
	[tilespmem:$0x8400] =	vst v63  }
0x18: {  	s26 =	simm.s32 $0x180  }
0x19: {  	[tilespmem:s15], [sflag:$0x1] =	stream.indirect.gather [hbm4b:s3+s11], $0x10, s26, s11, $0xb8;
	[tilespmem:$0x8400] =	vst v63  }
0x1a: {  	_ =	swait.ge [sflag:s16], $0x800  }
0x1b: {  	[sflag:s16] =	ssyncset.done $0x0  }
0x1c: {  	[sflag:s16] =	ssyncadd.s32 $0xFFFFF800  }
0x1d: {  	_ =	swait.ge [sflag:s16], $0x800  }
0x1e: {  	[sflag:s16] =	ssyncset.done $0x0  }
0x1f: {  	[sflag:s16] =	ssyncadd.s32 $0xFFFFF800  }
0x20: {  	_ =	swait.ge [sflag:s16], $0x800  }
0x21: {  	[sflag:s16] =	ssyncset.done $0x0  }
0x22: {  	[sflag:s16] =	ssyncadd.s32 $0xFFFFF800  }
0x23: {  	_ =	swait.ge [sflag:s16], $0x800  }
0x24: {  	[sflag:s16] =	ssyncset.done $0x0  }
0x25: {  	s28 =	sadd.s32 $0x0, s6;
	[sflag:s16] =	ssyncadd.s32 $0xFFFFF800  }
0x26: {  	[hbm4b:s28+s2] =	stream.linear.scatter [tilespmem:s12], [sflag:$0x2], $0x800, $0x38;
	[tilespmem:$0x8400] =	vst v63  }
0x27: {  	_ =	swait.ge [sflag:s10], $0x800  }
0x28: {  	[sflag:s10] =	ssyncset.done $0x0  }
0x29: {  	s29 =	sadd.s32 $0x0, s8;
	[sflag:s10] =	ssyncadd.s32 $0xFFFFF800  }
0x2a: {  	[hbm4b:s29+s2] =	stream.linear.scatter [tilespmem:s13], [sflag:$0x2], $0x800, $0x38;
	[tilespmem:$0x8400] =	vst v63  }
0x2b: {  	_ =	swait.ge [sflag:s10], $0x800  }
0x2c: {  	[sflag:s10] =	ssyncset.done $0x0  }
0x2d: {  	s30 =	sadd.s32 $0x0, s7;
	[sflag:s10] =	ssyncadd.s32 $0xFFFFF800  }
0x2e: {  	[hbm4b:s30+s2] =	stream.linear.scatter [tilespmem:s14], [sflag:$0x2], $0x800, $0x38;
	[tilespmem:$0x8400] =	vst v63  }
0x2f: {  	_ =	swait.ge [sflag:s10], $0x800  }
0x30: {  	[sflag:s10] =	ssyncset.done $0x0  }
0x31: {  	s31 =	sadd.s32 $0x0, s9;
	[sflag:s10] =	ssyncadd.s32 $0xFFFFF800  }
0x32: {  	[hbm4b:s31+s2] =	stream.linear.scatter [tilespmem:s15], [sflag:$0x2], $0x800, $0x38;
	[tilespmem:$0x8400] =	vst v63  }
0x33: {  	_ =	swait.ge [sflag:s10], $0x800  }
0x34: {  	s19 =	simm.s32 $0x0;
	s18 =	simm.s32 $0x400;
	[sflag:s10] =	ssyncset.done $0x0  }
.LBB2_2:
0x35: {  	p0 =	sne.s32 s18, $0xC400;
	[sflag:s10] =	ssyncadd.s32 $0xFFFFF800;
	s19 =	sadd.s32 $0x200, s19  }
0x36: {  	[tilespmem:s12], [sflag:$0x1] =	stream.indirect.gather [hbm4b:s3+s11], $0x10, s19, s11, $0xb8;
	[tilespmem:$0x8400] =	vst v63  }
0x37: {  	s20 =	smov.u32 s18;
	s18 =	sadd.s32 $0x400, s18;
	s21 =	sadd.s32 $0x80, s19  }
0x38: {  	[tilespmem:s13], [sflag:$0x1] =	stream.indirect.gather [hbm4b:s3+s11], $0x10, s21, s11, $0xb8;
	[tilespmem:$0x8400] =	vst v63  }
0x39: {  	s21 =	sadd.s32 $0x100, s19  }
0x3a: {  	[tilespmem:s14], [sflag:$0x1] =	stream.indirect.gather [hbm4b:s3+s11], $0x10, s21, s11, $0xb8;
	[tilespmem:$0x8400] =	vst v63  }
0x3b: {  	s21 =	sadd.s32 $0x180, s19  }
0x3c: {  	[tilespmem:s15], [sflag:$0x1] =	stream.indirect.gather [hbm4b:s3+s11], $0x10, s21, s11, $0xb8;
	[tilespmem:$0x8400] =	vst v63  }
0x3d: {  	_ =	swait.ge [sflag:s16], $0x800  }
0x3e: {  	[sflag:s16] =	ssyncset.done $0x0  }
0x3f: {  	[sflag:s16] =	ssyncadd.s32 $0xFFFFF800  }
0x40: {  	_ =	swait.ge [sflag:s16], $0x800  }
0x41: {  	[sflag:s16] =	ssyncset.done $0x0  }
0x42: {  	[sflag:s16] =	ssyncadd.s32 $0xFFFFF800  }
0x43: {  	_ =	swait.ge [sflag:s16], $0x800  }
0x44: {  	[sflag:s16] =	ssyncset.done $0x0  }
0x45: {  	[sflag:s16] =	ssyncadd.s32 $0xFFFFF800  }
0x46: {  	_ =	swait.ge [sflag:s16], $0x800  }
0x47: {  	[sflag:s16] =	ssyncset.done $0x0  }
0x48: {  	s21 =	sadd.s32 s20, s6;
	[sflag:s16] =	ssyncadd.s32 $0xFFFFF800  }
0x49: {  	[hbm4b:s21+s2] =	stream.linear.scatter [tilespmem:s12], [sflag:$0x2], $0x800, $0x38;
	[tilespmem:$0x8400] =	vst v63  }
0x4a: {  	_ =	swait.ge [sflag:s10], $0x800  }
0x4b: {  	[sflag:s10] =	ssyncset.done $0x0  }
0x4c: {  	s21 =	sadd.s32 s20, s8;
	[sflag:s10] =	ssyncadd.s32 $0xFFFFF800  }
0x4d: {  	[hbm4b:s21+s2] =	stream.linear.scatter [tilespmem:s13], [sflag:$0x2], $0x800, $0x38;
	[tilespmem:$0x8400] =	vst v63  }
0x4e: {  	_ =	swait.ge [sflag:s10], $0x800  }
0x4f: {  	[sflag:s10] =	ssyncset.done $0x0  }
0x50: {  	s21 =	sadd.s32 s20, s7;
	[sflag:s10] =	ssyncadd.s32 $0xFFFFF800  }
0x51: {  	[hbm4b:s21+s2] =	stream.linear.scatter [tilespmem:s14], [sflag:$0x2], $0x800, $0x38;
	[tilespmem:$0x8400] =	vst v63  }
0x52: {  	_ =	swait.ge [sflag:s10], $0x800  }
.Ltmp0:
0x53: {  	[sflag:s10] =	ssyncset.done $0x0;
	(pc) =	sbr.rel @p0 .LBB2_2-.Ltmp0, $4  }
0x54: {  	s20 =	sadd.s32 s20, s9;
	[sflag:s10] =	ssyncadd.s32 $0xFFFFF800  }
0x55: {  	[hbm4b:s20+s2] =	stream.linear.scatter [tilespmem:s15], [sflag:$0x2], $0x800, $0x38;
	[tilespmem:$0x8400] =	vst v63  }
0x56: {  	_ =	swait.ge [sflag:s10], $0x800  }
0x57: {  	[sflag:s10] =	ssyncset.done $0x0  }
0x58: {  	s17 =	sadd.s32 $0x1, s17  }
0x59: {  	p0 =	sne.s32 s17, s5  }
.Ltmp1:
0x5a: {  	_ = 	snop;
	(pc) =	sbr.rel @p0 .LBB2_1-.Ltmp1, $2  }
0x5b: {  	_ =	sdelay $0x2  }
0x5c: {  	[sflag:s10] =	ssyncadd.s32 $0xFFFFF800  }
0x5d: {  	_ =	sfence.sel $0x180000  }
0x5e: {  	[bflag:$0x0] =	sbarrier.arrive $0xFFFF  }
0x5f: {  	p0 =	sne.s32 s0, $0x0;
	_ =	strace $0x90000047  }
0x60: {  	s0 =	sadd.s32 @!p0 $0x100000, s1;
	[bflag:$0x2] =	sbarrier.arrive $0xFFFF  }
0x61: {  	[sflag:s0] =	ssyncadd.tile.s32 @!p0 $0x1;
	_ =	shalt  }
.Lfunc_end2:
_tile_overlayer_lowered:
.L_overlay_start_2:
0x62: {  	(tag) =	ssettag $0x2  }
0x63: {  	s0 =	rddreg [dreg:$0x0];
	s2 =	stileid.u32  }
0x64: {  	s1 =	rddreg [dreg:$0x1];
	p0 =	sne.s32 s2, $0x0  }
0x65: {  	s3 =	rddreg [dreg:$0x2];
	[bflag:$0x3] =	sbarrier.arrive $0xFFFF;
	s2 =	simm.s32 @!p0 $0x1C02  }
0x66: {  	[timem:s3], [sflag:s2] =	dma.local @!p0 [hbm:s0], s1  }
0x67: {  	s0 =	simm.s32 @!p0 $0x2  }
0x68: {  	_ =	swait.ge @!p0 [sflag:s0], s1  }
0x69: {  	s1 =	ssub.s32 @!p0 $0x0, s1;
	[sflag:s0] =	ssyncset.done @!p0 $0x0  }
0x6a: {  	[sflag:s0] =	ssyncadd.s32 @!p0 s1  }
0x6b: {  	[bflag:$0x3] =	sbarrier.arrive $0xFFFF  }
0x6c: {  	_ =	shalt  }

</sc_bundles>
